<compile_context>
chip_gen: v7x
topology: tpu7x:2x2x1
jax: 0.10.2.dev20260603
libtpu: 0.0.44.dev20260713+nightly
codegen_flags: <defaults>
</compile_context>

<pallas_src>
import functools

import jax
import jax.numpy as jnp
from jax import lax
from jax.experimental import pallas as pl
from jax.experimental.pallas import tpu as pltpu
from jax.experimental.pallas import tpu_sc as plsc

_B = 4096
_F = 26
_V = 100000
_D = 32

_NC = 2
_NS = 16
_NW = _NC * _NS


_VA = 49920
_VB = _V - _VA


def _sc_gather_body(tabt_hbm, idxt_hbm, outt_hbm, bufa_v, bufb_v, idx_v, row_v,
                    sema, semb):
    d = lax.axis_index("c") * _NS + lax.axis_index("s")

    def start_a(f):
        return pltpu.async_copy(tabt_hbm.at[f, d, pl.ds(0, _VA)], bufa_v, sema)

    def start_b(f):
        return pltpu.async_copy(tabt_hbm.at[f, d, pl.ds(_VA, _VB)], bufb_v, semb)

    start_a(0)
    start_b(0)
    pltpu.sync_copy(idxt_hbm.at[0], idx_v)

    def step(f, carry):
        pltpu.make_async_copy(tabt_hbm.at[f, d, pl.ds(0, _VA)], bufa_v, sema).wait()

        def g1(i, c2):
            sl = pl.ds(i * 16, 16)
            v = idx_v[sl]
            m = v < _VA
            ga = plsc.load_gather(bufa_v, [jnp.where(m, v, 0)])
            row_v[sl] = jnp.where(m, ga, 0.0)
            return c2

        lax.fori_loop(0, _B // 16, g1, 0)

        pltpu.make_async_copy(tabt_hbm.at[f, d, pl.ds(_VA, _VB)], bufb_v, semb).wait()

        @pl.when(f + 1 < _F)
        def _():
            start_a(f + 1)

        def g2(i, c2):
            sl = pl.ds(i * 16, 16)
            v = idx_v[sl]
            m = v >= _VA
            gb = plsc.load_gather(bufb_v, [jnp.where(m, v - _VA, 0)])
            row_v[sl] = row_v[sl] + jnp.where(m, gb, 0.0)
            return c2

        lax.fori_loop(0, _B // 16, g2, 0)
        pltpu.sync_copy(row_v, outt_hbm.at[f, d])

        @pl.when(f + 1 < _F)
        def _():
            start_b(f + 1)
            pltpu.sync_copy(idxt_hbm.at[f + 1], idx_v)

        return carry

    lax.fori_loop(0, _F, step, 0)


@functools.cache
def _sc_gather():
    return pl.kernel(
        _sc_gather_body,
        out_type=jax.ShapeDtypeStruct((_F, _D, _B), jnp.float32),
        mesh=plsc.VectorSubcoreMesh(
            core_axis_name="c", subcore_axis_name="s", num_cores=_NC, num_subcores=_NS
        ),
        scratch_types=[
            pltpu.VMEM((_VA,), jnp.float32),
            pltpu.VMEM((_VB,), jnp.float32),
            pltpu.VMEM((_B,), jnp.int32),
            pltpu.VMEM((_B,), jnp.float32),
            pltpu.SemaphoreType.DMA,
            pltpu.SemaphoreType.DMA,
        ],
        compiler_params=pltpu.CompilerParams(
            use_tc_tiling_on_sc=True, needs_layout_passes=False
        ),
    )


_BB = 512


def _tc_body(dense_ref, spt_ref,
             dW1, db1, dW2, db2, dW3, db3,
             oW1, ob1, oW2, ob2, oW3, ob3,
             out_ref):
    relu = lambda v: jnp.maximum(v, 0.0)
    h = relu(jnp.dot(dense_ref[...], dW1[...], preferred_element_type=jnp.float32) + db1[...])
    h = relu(jnp.dot(h, dW2[...], preferred_element_type=jnp.float32) + db2[...])
    de = relu(jnp.dot(h, dW3[...], preferred_element_type=jnp.float32) + db3[...])

    sp = jnp.transpose(spt_ref[...])
    c3 = jnp.concatenate([de, sp], axis=1).reshape(_BB, _F + 1, _D)
    g = lax.dot_general(
        c3, c3,
        dimension_numbers=(((2,), (2,)), ((0,), (0,))),
        preferred_element_type=jnp.float32,
    )
    gf = g.reshape(_BB, (_F + 1) * (_F + 1))
    h = relu(
        jnp.dot(de, oW1[: _D], preferred_element_type=jnp.float32)
        + jnp.dot(gf, oW1[_D:], preferred_element_type=jnp.float32)
        + ob1[...]
    )
    h = relu(jnp.dot(h, oW2[...], preferred_element_type=jnp.float32) + ob2[...])
    out_ref[...] = jnp.dot(h, oW3[...], preferred_element_type=jnp.float32) + ob3[...]


def _tc_forward(dense, spt, dW1, db1, dW2, db2, dW3, db3, oW1, ob1, oW2, ob2, oW3, ob3,
                interpret=False):
    full = lambda shape: pl.BlockSpec(shape, lambda i: (0,) * len(shape))
    grid = _B // _BB
    return pl.pallas_call(
        _tc_body,
        grid=(grid,),
        in_specs=[
            pl.BlockSpec((_BB, 13), lambda i: (i, 0)),
            pl.BlockSpec((_F * _D, _BB), lambda i: (0, i)),
            full(dW1.shape), full(db1.shape), full(dW2.shape), full(db2.shape),
            full(dW3.shape), full(db3.shape),
            full(oW1.shape), full(ob1.shape), full(oW2.shape), full(ob2.shape),
            full(oW3.shape), full(ob3.shape),
        ],
        out_specs=pl.BlockSpec((_BB, 1), lambda i: (i, 0)),
        out_shape=jax.ShapeDtypeStruct((_B, 1), jnp.float32),
        interpret=interpret,
    )(dense, spt, dW1, db1, dW2, db2, dW3, db3, oW1, ob1, oW2, ob2, oW3, ob3)


def _permute_over_w1(oW1):
    n_idx, m_idx = jnp.triu_indices(_F + 1, k=1)
    w_int = 0.5 * oW1[_D:]
    wp = jnp.zeros(((_F + 1) * (_F + 1), oW1.shape[1]), oW1.dtype)
    wp = wp.at[n_idx * (_F + 1) + m_idx].set(w_int)
    wp = wp.at[m_idx * (_F + 1) + n_idx].set(w_int)
    return jnp.concatenate([oW1[:_D], wp], axis=0)


def kernel(dense_features, sparse_indices, tables,
           dW1, db1, dW2, db2, dW3, db3,
           oW1, ob1, oW2, ob2, oW3, ob3):
    tab_t = jnp.transpose(tables, (0, 2, 1))
    idx_t = jnp.transpose(sparse_indices)
    out_t = _sc_gather()(tab_t, idx_t)
    spt = out_t.reshape(_F * _D, _B)
    return _tc_forward(
        dense_features, spt,
        dW1, db1.reshape(1, -1), dW2, db2.reshape(1, -1), dW3, db3.reshape(1, -1),
        _permute_over_w1(oW1), ob1.reshape(1, -1),
        oW2, ob2.reshape(1, -1), oW3, ob3.reshape(1, -1),
    )

# --- scband reference (transcript-rebuilt; emitter-appended) ---
"""Pipeline reference for scband-dlrm-39393440039440 (READ-ONLY COPY).

The authoritative reference and input builder live on the scoring server;
editing this copy changes nothing except your own understanding.
"""

import jax, jax.numpy as jnp
import numpy as np

B = 4096
F = 26
VOCAB = 100000
D = 32
DENSE_IN = 13


def setup_inputs(seed: int = 0) -> dict:
    key = jax.random.key(seed)
    ks = jax.random.split(key, 16)
    dense_features = jax.random.normal(ks[0], (B, DENSE_IN), dtype=jnp.float32)
    sparse_indices = jax.random.randint(ks[1], (B, F), 0, VOCAB, dtype=jnp.int32)
    tables = jax.random.normal(ks[2], (F, VOCAB, D), dtype=jnp.float32) * 0.01
    # DenseArch MLP: 13 -> 512 -> 256 -> 32, all relu
    dW1 = jax.random.normal(ks[3], (DENSE_IN, 512), dtype=jnp.float32) * (1.0 / np.sqrt(DENSE_IN))
    db1 = jnp.zeros((512,), dtype=jnp.float32)
    dW2 = jax.random.normal(ks[4], (512, 256), dtype=jnp.float32) * (1.0 / np.sqrt(512))
    db2 = jnp.zeros((256,), dtype=jnp.float32)
    dW3 = jax.random.normal(ks[5], (256, D), dtype=jnp.float32) * (1.0 / np.sqrt(256))
    db3 = jnp.zeros((D,), dtype=jnp.float32)
    # OverArch input: D + choose(F+1, 2) = 32 + 351 = 383
    OVER_IN = D + (F + 1) * F // 2
    oW1 = jax.random.normal(ks[6], (OVER_IN, 512), dtype=jnp.float32) * (1.0 / np.sqrt(OVER_IN))
    ob1 = jnp.zeros((512,), dtype=jnp.float32)
    oW2 = jax.random.normal(ks[7], (512, 256), dtype=jnp.float32) * (1.0 / np.sqrt(512))
    ob2 = jnp.zeros((256,), dtype=jnp.float32)
    oW3 = jax.random.normal(ks[8], (256, 1), dtype=jnp.float32) * (1.0 / np.sqrt(256))
    ob3 = jnp.zeros((1,), dtype=jnp.float32)
    return {
        "dense_features": dense_features,
        "sparse_indices": sparse_indices,
        "tables": tables,
        "dW1": dW1, "db1": db1, "dW2": dW2, "db2": db2, "dW3": dW3, "db3": db3,
        "oW1": oW1, "ob1": ob1, "oW2": oW2, "ob2": ob2, "oW3": oW3, "ob3": ob3,
    }


def reference(dense_features, sparse_indices, tables,
              dW1, db1, dW2, db2, dW3, db3,
              oW1, ob1, oW2, ob2, oW3, ob3):
    # DenseArch: MLP with relu on every layer
    h = jax.nn.relu(dense_features @ dW1 + db1)
    h = jax.nn.relu(h @ dW2 + db2)
    dense_emb = jax.nn.relu(h @ dW3 + db3)  # [B, D]
    # SparseArch: per-feature embedding lookup (pooling factor 1 -> pooled bag == single lookup)
    feat_ids = jnp.arange(F, dtype=sparse_indices.dtype)  # [F]
    sparse_emb = tables[feat_ids[None, :], sparse_indices]  # [B, F, D]
    # InteractionArch: pairwise dot products of (dense, sparse...) rows
    combined = jnp.concatenate([dense_emb[:, None, :], sparse_emb], axis=1)  # [B, F+1, D]
    interactions = jnp.einsum('bnd,bmd->bnm', combined, combined)  # [B, F+1, F+1]
    ti, tj = np.triu_indices(F + 1, k=1)
    interactions_flat = interactions[:, ti, tj]  # [B, choose(F+1,2)]
    x = jnp.concatenate([dense_emb, interactions_flat], axis=1)  # [B, D + 351]
    # OverArch: MLP(relu) layers then final linear
    h = jax.nn.relu(x @ oW1 + ob1)
    h = jax.nn.relu(h @ oW2 + ob2)
    logits = h @ oW3 + ob3  # [B, 1]
    return logits

if __name__ == "__main__":
    import jax
    _d = setup_inputs()
    print(jax.jit(kernel)(*tuple(_d.values())))

</pallas_src>

<mosaic_0001>
#map = affine_map<(d0, d1) -> (0, 0, 0)>
#map1 = affine_map<(d0, d1) -> (0, 0)>
module attributes {stable_mosaic.version = 14 : i64} {
  func.func @_sc_gather_body(%arg0: i32, %arg1: i32, %arg2: memref<26x32x100000xf32, #tpu.memory_space<hbm>>, %arg3: memref<26x4096xi32, #tpu.memory_space<hbm>>, %arg4: memref<26x32x4096xf32, #tpu.memory_space<hbm>>, %arg5: memref<49920xf32, #tpu.memory_space<vmem>>, %arg6: memref<50080xf32, #tpu.memory_space<vmem>>, %arg7: memref<4096xi32, #tpu.memory_space<vmem>>, %arg8: memref<4096xf32, #tpu.memory_space<vmem>>, %arg9: memref<!tpu.dma_semaphore, #tpu.memory_space<semaphore_mem>>, %arg10: memref<!tpu.dma_semaphore, #tpu.memory_space<semaphore_mem>>) attributes {dimension_semantics = [#tpu.dimension_semantics<core_parallel>, #tpu.dimension_semantics<subcore_parallel>], iteration_bounds = array<i64: 2, 16>, scalar_prefetch = 0 : i64, scratch_operands = 6 : i64, tpu.core_type = #tpu.core_type<sc_vector_subcore>, window_params = [{transform_indices = #map}, {transform_indices = #map1}, {transform_indices = #map}]} {
    %mul3A = arith.constant 16 : i32
    %mul3A_0 = arith.muli %arg0, %mul3A : i32
    %add3A = arith.addi %mul3A_0, %arg1 : i32
    %dma_start3A = arith.constant 0 : i32
    %dma_start3A_1 = arith.constant 0 : i32
    %dma_start3A_2 = tpu.memref_slice %arg2[%dma_start3A, %add3A, %dma_start3A_1] : memref<26x32x100000xf32, #tpu.memory_space<hbm>> -> memref<1x1x49920xf32, #tpu.memory_space<hbm>>
    %dma_start3A_3 = tpu.memref_squeeze %dma_start3A_2 : memref<1x1x49920xf32, #tpu.memory_space<hbm>> -> memref<49920xf32, #tpu.memory_space<hbm>>
    %dma_start3A_4 = arith.constant 0 : i32
    %dma_start3A_5 = tpu.memref_slice %arg2[%dma_start3A, %add3A, %dma_start3A_4] : memref<26x32x100000xf32, #tpu.memory_space<hbm>> -> memref<1x1x49920xf32, #tpu.memory_space<hbm>>
    %dma_start3A_6 = tpu.memref_squeeze %dma_start3A_5 : memref<1x1x49920xf32, #tpu.memory_space<hbm>> -> memref<49920xf32, #tpu.memory_space<hbm>>
    tpu.enqueue_dma source(%dma_start3A_6 : memref<49920xf32, #tpu.memory_space<hbm>>) target(%arg5 : memref<49920xf32, #tpu.memory_space<vmem>>) target_semaphore(%arg9 : memref<!tpu.dma_semaphore, #tpu.memory_space<semaphore_mem>>)
    %dma_start3A_7 = arith.constant 0 : i32
    %dma_start3A_8 = arith.constant 49920 : i32
    %dma_start3A_9 = tpu.memref_slice %arg2[%dma_start3A_7, %add3A, %dma_start3A_8] : memref<26x32x100000xf32, #tpu.memory_space<hbm>> -> memref<1x1x50080xf32, #tpu.memory_space<hbm>>
    %dma_start3A_10 = tpu.memref_squeeze %dma_start3A_9 : memref<1x1x50080xf32, #tpu.memory_space<hbm>> -> memref<50080xf32, #tpu.memory_space<hbm>>
    %dma_start3A_11 = arith.constant 49920 : i32
    %dma_start3A_12 = tpu.memref_slice %arg2[%dma_start3A_7, %add3A, %dma_start3A_11] : memref<26x32x100000xf32, #tpu.memory_space<hbm>> -> memref<1x1x50080xf32, #tpu.memory_space<hbm>>
    %dma_start3A_13 = tpu.memref_squeeze %dma_start3A_12 : memref<1x1x50080xf32, #tpu.memory_space<hbm>> -> memref<50080xf32, #tpu.memory_space<hbm>>
    tpu.enqueue_dma source(%dma_start3A_13 : memref<50080xf32, #tpu.memory_space<hbm>>) target(%arg6 : memref<50080xf32, #tpu.memory_space<vmem>>) target_semaphore(%arg10 : memref<!tpu.dma_semaphore, #tpu.memory_space<semaphore_mem>>)
    %run_scoped3A = arith.constant 0 : i32
    "tpu.region"() ({
      %run_scoped3A_19 = tpu.sem_alloc : memref<!tpu.dma_semaphore, #tpu.memory_space<semaphore_mem>>
      %dma_start3A_20 = arith.constant 0 : i32
      %dma_start3A_21 = tpu.memref_slice %arg3[%run_scoped3A, %dma_start3A_20] : memref<26x4096xi32, #tpu.memory_space<hbm>> -> memref<1x4096xi32, #tpu.memory_space<hbm>>
      %dma_start3A_22 = tpu.memref_squeeze %dma_start3A_21 : memref<1x4096xi32, #tpu.memory_space<hbm>> -> memref<4096xi32, #tpu.memory_space<hbm>>
      %dma_start3A_23 = arith.constant 0 : i32
      %dma_start3A_24 = tpu.memref_slice %arg3[%run_scoped3A, %dma_start3A_23] : memref<26x4096xi32, #tpu.memory_space<hbm>> -> memref<1x4096xi32, #tpu.memory_space<hbm>>
      %dma_start3A_25 = tpu.memref_squeeze %dma_start3A_24 : memref<1x4096xi32, #tpu.memory_space<hbm>> -> memref<4096xi32, #tpu.memory_space<hbm>>
      tpu.enqueue_dma source(%dma_start3A_25 : memref<4096xi32, #tpu.memory_space<hbm>>) target(%arg7 : memref<4096xi32, #tpu.memory_space<vmem>>) target_semaphore(%run_scoped3A_19 : memref<!tpu.dma_semaphore, #tpu.memory_space<semaphore_mem>>)
      %dma_wait3A = arith.constant 0 : i32
      %dma_wait3A_26 = tpu.memref_slice %arg3[%run_scoped3A, %dma_wait3A] : memref<26x4096xi32, #tpu.memory_space<hbm>> -> memref<1x4096xi32, #tpu.memory_space<hbm>>
      %dma_wait3A_27 = tpu.memref_squeeze %dma_wait3A_26 : memref<1x4096xi32, #tpu.memory_space<hbm>> -> memref<4096xi32, #tpu.memory_space<hbm>>
      %dma_wait3A_28 = arith.constant 0 : i32
      %dma_wait3A_29 = tpu.memref_slice %arg3[%run_scoped3A, %dma_wait3A_28] : memref<26x4096xi32, #tpu.memory_space<hbm>> -> memref<1x4096xi32, #tpu.memory_space<hbm>>
      %dma_wait3A_30 = tpu.memref_squeeze %dma_wait3A_29 : memref<1x4096xi32, #tpu.memory_space<hbm>> -> memref<4096xi32, #tpu.memory_space<hbm>>
      tpu.wait_dma2 semaphore(%run_scoped3A_19 : memref<!tpu.dma_semaphore, #tpu.memory_space<semaphore_mem>>) src(%dma_wait3A_30 : memref<4096xi32, #tpu.memory_space<hbm>>) dst(%arg7 : memref<4096xi32, #tpu.memory_space<vmem>>)
      tpu.yield
    }) : () -> ()
    %scan3A = arith.constant 0 : i32
    %scan3A_14 = arith.constant 0 : i32
    %scan3A_15 = arith.constant 26 : i32
    %scan3A_16 = arith.addi %scan3A_14, %scan3A_15 : i32
    %scan3A_17 = arith.constant 1 : i32
    scf.for %scan3A_19 = %scan3A_14 to %scan3A_16 step %scan3A_17  : i32 {
      %dma_wait3A = arith.constant 0 : i32
      %dma_wait3A_20 = tpu.memref_slice %arg2[%scan3A_19, %add3A, %dma_wait3A] : memref<26x32x100000xf32, #tpu.memory_space<hbm>> -> memref<1x1x49920xf32, #tpu.memory_space<hbm>>
      %dma_wait3A_21 = tpu.memref_squeeze %dma_wait3A_20 : memref<1x1x49920xf32, #tpu.memory_space<hbm>> -> memref<49920xf32, #tpu.memory_space<hbm>>
      %dma_wait3A_22 = arith.constant 0 : i32
      %dma_wait3A_23 = tpu.memref_slice %arg2[%scan3A_19, %add3A, %dma_wait3A_22] : memref<26x32x100000xf32, #tpu.memory_space<hbm>> -> memref<1x1x49920xf32, #tpu.memory_space<hbm>>
      %dma_wait3A_24 = tpu.memref_squeeze %dma_wait3A_23 : memref<1x1x49920xf32, #tpu.memory_space<hbm>> -> memref<49920xf32, #tpu.memory_space<hbm>>
      tpu.wait_dma2 semaphore(%arg9 : memref<!tpu.dma_semaphore, #tpu.memory_space<semaphore_mem>>) src(%dma_wait3A_24 : memref<49920xf32, #tpu.memory_space<hbm>>) dst(%arg5 : memref<49920xf32, #tpu.memory_space<vmem>>)
      %scan3A_25 = arith.constant 0 : i32
      %scan3A_26 = arith.constant 0 : i32
      %scan3A_27 = arith.constant 256 : i32
      %scan3A_28 = arith.addi %scan3A_26, %scan3A_27 : i32
      %scan3A_29 = arith.constant 1 : i32
      scf.for %scan3A_54 = %scan3A_26 to %scan3A_28 step %scan3A_29  : i32 {
        %mul3A_55 = arith.constant 16 : i32
        %mul3A_56 = arith.muli %scan3A_54, %mul3A_55 : i32
        %get3A = arith.index_cast %mul3A_56 : i32 to index
        %get3A_57 = tpu.vector_load %arg7[%get3A] {strides = array<i32>} : memref<4096xi32, #tpu.memory_space<vmem>>, vector<16xi32>,
        %lt3A_58 = arith.constant 49920 : i32
        %lt3A_59 = vector.broadcast %lt3A_58 : i32 to vector<16xi32>
        %lt3A_60 = arith.cmpi slt, %get3A_57, %lt3A_59 : vector<16xi32>
        %jit3A = arith.constant 0 : i32
        %broadcast_in_dim3A = vector.broadcast %jit3A : i32 to vector<16xi32>
        %select_n3A = arith.select %lt3A_60, %get3A_57, %broadcast_in_dim3A : vector<16xi1>, vector<16xi32>
        %gather3A = tpu.vector_load_idx %arg5[%select_n3A] : memref<49920xf32, #tpu.memory_space<vmem>>[vector<16xi32>], vector<16xf32>,
        %jit3A_61 = arith.constant 0.000000e+00 : f32
        %broadcast_in_dim3A_62 = vector.broadcast %jit3A_61 : f32 to vector<16xf32>
        %select_n3A_63 = arith.select %lt3A_60, %gather3A, %broadcast_in_dim3A_62 : vector<16xi1>, vector<16xf32>
        %swap3A = arith.index_cast %mul3A_56 : i32 to index
        %swap3A_64 = tpu.vector_load %arg8[%swap3A] {strides = array<i32>} : memref<4096xf32, #tpu.memory_space<vmem>>, vector<16xf32>,
        tpu.vector_store %arg8[%swap3A], %select_n3A_63 {strides = array<i32>} : memref<4096xf32, #tpu.memory_space<vmem>>, vector<16xf32>,
      }
      %scan3A_30 = arith.constant 256 : i32
      %dma_wait3A_31 = arith.constant 49920 : i32
      %dma_wait3A_32 = tpu.memref_slice %arg2[%scan3A_19, %add3A, %dma_wait3A_31] : memref<26x32x100000xf32, #tpu.memory_space<hbm>> -> memref<1x1x50080xf32, #tpu.memory_space<hbm>>
      %dma_wait3A_33 = tpu.memref_squeeze %dma_wait3A_32 : memref<1x1x50080xf32, #tpu.memory_space<hbm>> -> memref<50080xf32, #tpu.memory_space<hbm>>
      %dma_wait3A_34 = arith.constant 49920 : i32
      %dma_wait3A_35 = tpu.memref_slice %arg2[%scan3A_19, %add3A, %dma_wait3A_34] : memref<26x32x100000xf32, #tpu.memory_space<hbm>> -> memref<1x1x50080xf32, #tpu.memory_space<hbm>>
      %dma_wait3A_36 = tpu.memref_squeeze %dma_wait3A_35 : memref<1x1x50080xf32, #tpu.memory_space<hbm>> -> memref<50080xf32, #tpu.memory_space<hbm>>
      tpu.wait_dma2 semaphore(%arg10 : memref<!tpu.dma_semaphore, #tpu.memory_space<semaphore_mem>>) src(%dma_wait3A_36 : memref<50080xf32, #tpu.memory_space<hbm>>) dst(%arg6 : memref<50080xf32, #tpu.memory_space<vmem>>)
      %add3A_37 = arith.constant 1 : i32
      %add3A_38 = arith.addi %scan3A_19, %add3A_37 : i32
      %lt3A = arith.constant 26 : i32
      %lt3A_39 = arith.cmpi slt, %add3A_38, %lt3A : i32
      %convert_element_type3A = arith.extui %lt3A_39 : i1 to i32
      %cond3A = arith.constant 0 : i32
      %cond3A_40 = arith.cmpi ne, %convert_element_type3A, %cond3A : i32
      scf.if %cond3A_40 {
        %add3A_54 = arith.constant 1 : i32
        %add3A_55 = arith.addi %scan3A_19, %add3A_54 : i32
        %dma_start3A_56 = arith.constant 0 : i32
        %dma_start3A_57 = tpu.memref_slice %arg2[%add3A_55, %add3A, %dma_start3A_56] : memref<26x32x100000xf32, #tpu.memory_space<hbm>> -> memref<1x1x49920xf32, #tpu.memory_space<hbm>>
        %dma_start3A_58 = tpu.memref_squeeze %dma_start3A_57 : memref<1x1x49920xf32, #tpu.memory_space<hbm>> -> memref<49920xf32, #tpu.memory_space<hbm>>
        %dma_start3A_59 = arith.constant 0 : i32
        %dma_start3A_60 = tpu.memref_slice %arg2[%add3A_55, %add3A, %dma_start3A_59] : memref<26x32x100000xf32, #tpu.memory_space<hbm>> -> memref<1x1x49920xf32, #tpu.memory_space<hbm>>
        %dma_start3A_61 = tpu.memref_squeeze %dma_start3A_60 : memref<1x1x49920xf32, #tpu.memory_space<hbm>> -> memref<49920xf32, #tpu.memory_space<hbm>>
        tpu.enqueue_dma source(%dma_start3A_61 : memref<49920xf32, #tpu.memory_space<hbm>>) target(%arg5 : memref<49920xf32, #tpu.memory_space<vmem>>) target_semaphore(%arg9 : memref<!tpu.dma_semaphore, #tpu.memory_space<semaphore_mem>>)
      } else {
      }
      %scan3A_41 = arith.constant 0 : i32
      %scan3A_42 = arith.constant 0 : i32
      %scan3A_43 = arith.constant 256 : i32
      %scan3A_44 = arith.addi %scan3A_42, %scan3A_43 : i32
      %scan3A_45 = arith.constant 1 : i32
      scf.for %scan3A_54 = %scan3A_42 to %scan3A_44 step %scan3A_45  : i32 {
        %mul3A_55 = arith.constant 16 : i32
        %mul3A_56 = arith.muli %scan3A_54, %mul3A_55 : i32
        %get3A = arith.index_cast %mul3A_56 : i32 to index
        %get3A_57 = tpu.vector_load %arg7[%get3A] {strides = array<i32>} : memref<4096xi32, #tpu.memory_space<vmem>>, vector<16xi32>,
        %ge3A = arith.constant 49920 : i32
        %ge3A_58 = vector.broadcast %ge3A : i32 to vector<16xi32>
        %ge3A_59 = arith.cmpi sge, %get3A_57, %ge3A_58 : vector<16xi32>
        %sub3A = arith.constant 49920 : i32
        %sub3A_60 = vector.broadcast %sub3A : i32 to vector<16xi32>
        %sub3A_61 = arith.subi %get3A_57, %sub3A_60 : vector<16xi32>
        %jit3A = arith.constant 0 : i32
        %broadcast_in_dim3A = vector.broadcast %jit3A : i32 to vector<16xi32>
        %select_n3A = arith.select %ge3A_59, %sub3A_61, %broadcast_in_dim3A : vector<16xi1>, vector<16xi32>
        %gather3A = tpu.vector_load_idx %arg6[%select_n3A] : memref<50080xf32, #tpu.memory_space<vmem>>[vector<16xi32>], vector<16xf32>,
        %get3A_62 = arith.index_cast %mul3A_56 : i32 to index
        %get3A_63 = tpu.vector_load %arg8[%get3A_62] {strides = array<i32>} : memref<4096xf32, #tpu.memory_space<vmem>>, vector<16xf32>,
        %jit3A_64 = arith.constant 0.000000e+00 : f32
        %broadcast_in_dim3A_65 = vector.broadcast %jit3A_64 : f32 to vector<16xf32>
        %select_n3A_66 = arith.select %ge3A_59, %gather3A, %broadcast_in_dim3A_65 : vector<16xi1>, vector<16xf32>
        %add3A_67 = arith.addf %get3A_63, %select_n3A_66 : vector<16xf32>
        %swap3A = arith.index_cast %mul3A_56 : i32 to index
        %swap3A_68 = tpu.vector_load %arg8[%swap3A] {strides = array<i32>} : memref<4096xf32, #tpu.memory_space<vmem>>, vector<16xf32>,
        tpu.vector_store %arg8[%swap3A], %add3A_67 {strides = array<i32>} : memref<4096xf32, #tpu.memory_space<vmem>>, vector<16xf32>,
      }
      %scan3A_46 = arith.constant 256 : i32
      "tpu.region"() ({
        %run_scoped3A_54 = tpu.sem_alloc : memref<!tpu.dma_semaphore, #tpu.memory_space<semaphore_mem>>
        %dma_start3A_55 = arith.constant 0 : i32
        %dma_start3A_56 = tpu.memref_slice %arg4[%scan3A_19, %add3A, %dma_start3A_55] : memref<26x32x4096xf32, #tpu.memory_space<hbm>> -> memref<1x1x4096xf32, #tpu.memory_space<hbm>>
        %dma_start3A_57 = tpu.memref_squeeze %dma_start3A_56 : memref<1x1x4096xf32, #tpu.memory_space<hbm>> -> memref<4096xf32, #tpu.memory_space<hbm>>
        %dma_start3A_58 = arith.constant 0 : i32
        %dma_start3A_59 = tpu.memref_slice %arg4[%scan3A_19, %add3A, %dma_start3A_58] : memref<26x32x4096xf32, #tpu.memory_space<hbm>> -> memref<1x1x4096xf32, #tpu.memory_space<hbm>>
        %dma_start3A_60 = tpu.memref_squeeze %dma_start3A_59 : memref<1x1x4096xf32, #tpu.memory_space<hbm>> -> memref<4096xf32, #tpu.memory_space<hbm>>
        tpu.enqueue_dma source(%arg8 : memref<4096xf32, #tpu.memory_space<vmem>>) target(%dma_start3A_60 : memref<4096xf32, #tpu.memory_space<hbm>>) target_semaphore(%run_scoped3A_54 : memref<!tpu.dma_semaphore, #tpu.memory_space<semaphore_mem>>)
        %dma_wait3A_61 = arith.constant 0 : i32
        %dma_wait3A_62 = tpu.memref_slice %arg4[%scan3A_19, %add3A, %dma_wait3A_61] : memref<26x32x4096xf32, #tpu.memory_space<hbm>> -> memref<1x1x4096xf32, #tpu.memory_space<hbm>>
        %dma_wait3A_63 = tpu.memref_squeeze %dma_wait3A_62 : memref<1x1x4096xf32, #tpu.memory_space<hbm>> -> memref<4096xf32, #tpu.memory_space<hbm>>
        %dma_wait3A_64 = arith.constant 0 : i32
        %dma_wait3A_65 = tpu.memref_slice %arg4[%scan3A_19, %add3A, %dma_wait3A_64] : memref<26x32x4096xf32, #tpu.memory_space<hbm>> -> memref<1x1x4096xf32, #tpu.memory_space<hbm>>
        %dma_wait3A_66 = tpu.memref_squeeze %dma_wait3A_65 : memref<1x1x4096xf32, #tpu.memory_space<hbm>> -> memref<4096xf32, #tpu.memory_space<hbm>>
        tpu.wait_dma2 semaphore(%run_scoped3A_54 : memref<!tpu.dma_semaphore, #tpu.memory_space<semaphore_mem>>) src(%arg8 : memref<4096xf32, #tpu.memory_space<vmem>>) dst(%dma_wait3A_66 : memref<4096xf32, #tpu.memory_space<hbm>>)
        tpu.yield
      }) : () -> ()
      %add3A_47 = arith.constant 1 : i32
      %add3A_48 = arith.addi %scan3A_19, %add3A_47 : i32
      %lt3A_49 = arith.constant 26 : i32
      %lt3A_50 = arith.cmpi slt, %add3A_48, %lt3A_49 : i32
      %convert_element_type3A_51 = arith.extui %lt3A_50 : i1 to i32
      %cond3A_52 = arith.constant 0 : i32
      %cond3A_53 = arith.cmpi ne, %convert_element_type3A_51, %cond3A_52 : i32
      scf.if %cond3A_53 {
        %add3A_54 = arith.constant 1 : i32
        %add3A_55 = arith.addi %scan3A_19, %add3A_54 : i32
        %dma_start3A_56 = arith.constant 49920 : i32
        %dma_start3A_57 = tpu.memref_slice %arg2[%add3A_55, %add3A, %dma_start3A_56] : memref<26x32x100000xf32, #tpu.memory_space<hbm>> -> memref<1x1x50080xf32, #tpu.memory_space<hbm>>
        %dma_start3A_58 = tpu.memref_squeeze %dma_start3A_57 : memref<1x1x50080xf32, #tpu.memory_space<hbm>> -> memref<50080xf32, #tpu.memory_space<hbm>>
        %dma_start3A_59 = arith.constant 49920 : i32
        %dma_start3A_60 = tpu.memref_slice %arg2[%add3A_55, %add3A, %dma_start3A_59] : memref<26x32x100000xf32, #tpu.memory_space<hbm>> -> memref<1x1x50080xf32, #tpu.memory_space<hbm>>
        %dma_start3A_61 = tpu.memref_squeeze %dma_start3A_60 : memref<1x1x50080xf32, #tpu.memory_space<hbm>> -> memref<50080xf32, #tpu.memory_space<hbm>>
        tpu.enqueue_dma source(%dma_start3A_61 : memref<50080xf32, #tpu.memory_space<hbm>>) target(%arg6 : memref<50080xf32, #tpu.memory_space<vmem>>) target_semaphore(%arg10 : memref<!tpu.dma_semaphore, #tpu.memory_space<semaphore_mem>>)
        %add3A_62 = arith.constant 1 : i32
        %add3A_63 = arith.addi %scan3A_19, %add3A_62 : i32
        "tpu.region"() ({
          %run_scoped3A_64 = tpu.sem_alloc : memref<!tpu.dma_semaphore, #tpu.memory_space<semaphore_mem>>
          %dma_start3A_65 = arith.constant 0 : i32
          %dma_start3A_66 = tpu.memref_slice %arg3[%add3A_63, %dma_start3A_65] : memref<26x4096xi32, #tpu.memory_space<hbm>> -> memref<1x4096xi32, #tpu.memory_space<hbm>>
          %dma_start3A_67 = tpu.memref_squeeze %dma_start3A_66 : memref<1x4096xi32, #tpu.memory_space<hbm>> -> memref<4096xi32, #tpu.memory_space<hbm>>
          %dma_start3A_68 = arith.constant 0 : i32
          %dma_start3A_69 = tpu.memref_slice %arg3[%add3A_63, %dma_start3A_68] : memref<26x4096xi32, #tpu.memory_space<hbm>> -> memref<1x4096xi32, #tpu.memory_space<hbm>>
          %dma_start3A_70 = tpu.memref_squeeze %dma_start3A_69 : memref<1x4096xi32, #tpu.memory_space<hbm>> -> memref<4096xi32, #tpu.memory_space<hbm>>
          tpu.enqueue_dma source(%dma_start3A_70 : memref<4096xi32, #tpu.memory_space<hbm>>) target(%arg7 : memref<4096xi32, #tpu.memory_space<vmem>>) target_semaphore(%run_scoped3A_64 : memref<!tpu.dma_semaphore, #tpu.memory_space<semaphore_mem>>)
          %dma_wait3A_71 = arith.constant 0 : i32
          %dma_wait3A_72 = tpu.memref_slice %arg3[%add3A_63, %dma_wait3A_71] : memref<26x4096xi32, #tpu.memory_space<hbm>> -> memref<1x4096xi32, #tpu.memory_space<hbm>>
          %dma_wait3A_73 = tpu.memref_squeeze %dma_wait3A_72 : memref<1x4096xi32, #tpu.memory_space<hbm>> -> memref<4096xi32, #tpu.memory_space<hbm>>
          %dma_wait3A_74 = arith.constant 0 : i32
          %dma_wait3A_75 = tpu.memref_slice %arg3[%add3A_63, %dma_wait3A_74] : memref<26x4096xi32, #tpu.memory_space<hbm>> -> memref<1x4096xi32, #tpu.memory_space<hbm>>
          %dma_wait3A_76 = tpu.memref_squeeze %dma_wait3A_75 : memref<1x4096xi32, #tpu.memory_space<hbm>> -> memref<4096xi32, #tpu.memory_space<hbm>>
          tpu.wait_dma2 semaphore(%run_scoped3A_64 : memref<!tpu.dma_semaphore, #tpu.memory_space<semaphore_mem>>) src(%dma_wait3A_76 : memref<4096xi32, #tpu.memory_space<hbm>>) dst(%arg7 : memref<4096xi32, #tpu.memory_space<vmem>>)
          tpu.yield
        }) : () -> ()
      } else {
      }
    }
    %scan3A_18 = arith.constant 26 : i32
    return
  }
}

module attributes {stable_mosaic.version = 14 : i64} {
  func.func @_tc_body(%arg0: i32, %arg1: memref<512x13xf32, #tpu.memory_space<vmem>>, %arg2: memref<832x512xf32, #tpu.memory_space<vmem>>, %arg3: memref<13x512xf32, #tpu.memory_space<vmem>>, %arg4: memref<1x512xf32, #tpu.memory_space<vmem>>, %arg5: memref<512x256xf32, #tpu.memory_space<vmem>>, %arg6: memref<1x256xf32, #tpu.memory_space<vmem>>, %arg7: memref<256x32xf32, #tpu.memory_space<vmem>>, %arg8: memref<1x32xf32, #tpu.memory_space<vmem>>, %arg9: memref<761x512xf32, #tpu.memory_space<vmem>>, %arg10: memref<1x512xf32, #tpu.memory_space<vmem>>, %arg11: memref<512x256xf32, #tpu.memory_space<vmem>>, %arg12: memref<1x256xf32, #tpu.memory_space<vmem>>, %arg13: memref<256x1xf32, #tpu.memory_space<vmem>>, %arg14: memref<1x1xf32, #tpu.memory_space<vmem>>, %arg15: memref<512x1xf32, #tpu.memory_space<vmem>>) attributes {dimension_semantics = [#tpu.dimension_semantics<arbitrary>], iteration_bounds = array<i64: 8>, scalar_prefetch = 0 : i64, scratch_operands = 0 : i64, tpu.core_type = #tpu.core_type<tc>, window_params = [{transform_indices = @transform_0, window_bounds = array<i64: 512, 13>}, {transform_indices = @transform_1, window_bounds = array<i64: 832, 512>}, {pipeline_mode = #tpu.pipeline_mode<synchronous>, transform_indices = @transform_2, window_bounds = array<i64: 13, 512>}, {pipeline_mode = #tpu.pipeline_mode<synchronous>, transform_indices = @transform_3, window_bounds = array<i64: 1, 512>}, {pipeline_mode = #tpu.pipeline_mode<synchronous>, transform_indices = @transform_4, window_bounds = array<i64: 512, 256>}, {pipeline_mode = #tpu.pipeline_mode<synchronous>, transform_indices = @transform_5, window_bounds = array<i64: 1, 256>}, {pipeline_mode = #tpu.pipeline_mode<synchronous>, transform_indices = @transform_6, window_bounds = array<i64: 256, 32>}, {pipeline_mode = #tpu.pipeline_mode<synchronous>, transform_indices = @transform_7, window_bounds = array<i64: 1, 32>}, {pipeline_mode = #tpu.pipeline_mode<synchronous>, transform_indices = @transform_8, window_bounds = array<i64: 761, 512>}, {pipeline_mode = #tpu.pipeline_mode<synchronous>, transform_indices = @transform_9, window_bounds = array<i64: 1, 512>}, {pipeline_mode = #tpu.pipeline_mode<synchronous>, transform_indices = @transform_10, window_bounds = array<i64: 512, 256>}, {pipeline_mode = #tpu.pipeline_mode<synchronous>, transform_indices = @transform_11, window_bounds = array<i64: 1, 256>}, {pipeline_mode = #tpu.pipeline_mode<synchronous>, transform_indices = @transform_12, window_bounds = array<i64: 256, 1>}, {pipeline_mode = #tpu.pipeline_mode<synchronous>, transform_indices = @transform_13, window_bounds = array<i64: 1, 1>}, {transform_indices = @transform_14, window_bounds = array<i64: 512, 1>}]} {
    %get3A = arith.constant 0 : index
    %get3A_0 = arith.constant 0 : index
    %get3A_1 = vector.load %arg1[%get3A, %get3A_0] : memref<512x13xf32, #tpu.memory_space<vmem>>, vector<512x13xf32>
    %get3A_2 = arith.constant 0 : index
    %get3A_3 = arith.constant 0 : index
    %get3A_4 = vector.load %arg3[%get3A_2, %get3A_3] : memref<13x512xf32, #tpu.memory_space<vmem>>, vector<13x512xf32>
    %dot_general3A = arith.constant dense<0.000000e+00> : vector<512x512xf32>
    %dot_general3A_5 = tpu.matmul %get3A_1, %get3A_4, %dot_general3A {dimension_numbers = #tpu.dot_dimension_numbers<[1], [0], [0], [1], [0, 0, 1, 1], [], []>, transpose_lhs_hint = false} : vector<512x13xf32>, vector<13x512xf32>, vector<512x512xf32> -> vector<512x512xf32>
    %get3A_6 = arith.constant 0 : index
    %get3A_7 = arith.constant 0 : index
    %get3A_8 = vector.load %arg4[%get3A_6, %get3A_7] : memref<1x512xf32, #tpu.memory_space<vmem>>, vector<1x512xf32>
    %add3A = vector.broadcast %get3A_8 : vector<1x512xf32> to vector<512x512xf32>
    %add3A_9 = arith.addf %dot_general3A_5, %add3A : vector<512x512xf32>
    %max3A = arith.constant 0.000000e+00 : f32
    %max3A_10 = vector.broadcast %max3A : f32 to vector<512x512xf32>
    %max3A_11 = arith.maximumf %add3A_9, %max3A_10 : vector<512x512xf32>
    %get3A_12 = arith.constant 0 : index
    %get3A_13 = arith.constant 0 : index
    %get3A_14 = vector.load %arg5[%get3A_12, %get3A_13] : memref<512x256xf32, #tpu.memory_space<vmem>>, vector<512x256xf32>
    %dot_general3A_15 = arith.constant dense<0.000000e+00> : vector<512x256xf32>
    %dot_general3A_16 = tpu.matmul %max3A_11, %get3A_14, %dot_general3A_15 {dimension_numbers = #tpu.dot_dimension_numbers<[1], [0], [0], [1], [0, 0, 1, 1], [], []>, transpose_lhs_hint = false} : vector<512x512xf32>, vector<512x256xf32>, vector<512x256xf32> -> vector<512x256xf32>
    %get3A_17 = arith.constant 0 : index
    %get3A_18 = arith.constant 0 : index
    %get3A_19 = vector.load %arg6[%get3A_17, %get3A_18] : memref<1x256xf32, #tpu.memory_space<vmem>>, vector<1x256xf32>
    %add3A_20 = vector.broadcast %get3A_19 : vector<1x256xf32> to vector<512x256xf32>
    %add3A_21 = arith.addf %dot_general3A_16, %add3A_20 : vector<512x256xf32>
    %max3A_22 = arith.constant 0.000000e+00 : f32
    %max3A_23 = vector.broadcast %max3A_22 : f32 to vector<512x256xf32>
    %max3A_24 = arith.maximumf %add3A_21, %max3A_23 : vector<512x256xf32>
    %get3A_25 = arith.constant 0 : index
    %get3A_26 = arith.constant 0 : index
    %get3A_27 = vector.load %arg7[%get3A_25, %get3A_26] : memref<256x32xf32, #tpu.memory_space<vmem>>, vector<256x32xf32>
    %dot_general3A_28 = arith.constant dense<0.000000e+00> : vector<512x32xf32>
    %dot_general3A_29 = tpu.matmul %max3A_24, %get3A_27, %dot_general3A_28 {dimension_numbers = #tpu.dot_dimension_numbers<[1], [0], [0], [1], [0, 0, 1, 1], [], []>, transpose_lhs_hint = false} : vector<512x256xf32>, vector<256x32xf32>, vector<512x32xf32> -> vector<512x32xf32>
    %get3A_30 = arith.constant 0 : index
    %get3A_31 = arith.constant 0 : index
    %get3A_32 = vector.load %arg8[%get3A_30, %get3A_31] : memref<1x32xf32, #tpu.memory_space<vmem>>, vector<1x32xf32>
    %add3A_33 = vector.broadcast %get3A_32 : vector<1x32xf32> to vector<512x32xf32>
    %add3A_34 = arith.addf %dot_general3A_29, %add3A_33 : vector<512x32xf32>
    %max3A_35 = arith.constant 0.000000e+00 : f32
    %max3A_36 = vector.broadcast %max3A_35 : f32 to vector<512x32xf32>
    %max3A_37 = arith.maximumf %add3A_34, %max3A_36 : vector<512x32xf32>
    %get3A_38 = arith.constant 0 : index
    %get3A_39 = arith.constant 0 : index
    %get3A_40 = vector.load %arg2[%get3A_38, %get3A_39] : memref<832x512xf32, #tpu.memory_space<vmem>>, vector<832x512xf32>
    %transpose3A = tpu.transpose %get3A_40, [1, 0] : vector<832x512xf32> -> vector<512x832xf32>
    %concatenate3A = tpu.concatenate %max3A_37, %transpose3A in 1 : vector<512x32xf32>, vector<512x832xf32> -> vector<512x864xf32>
    %reshape3A = vector.shape_cast %concatenate3A : vector<512x864xf32> to vector<512x27x32xf32>
    %dot_general3A_41 = arith.constant dense<0.000000e+00> : vector<512x27x27xf32>
    %dot_general3A_42 = tpu.matmul %reshape3A, %reshape3A, %dot_general3A_41 {dimension_numbers = #tpu.dot_dimension_numbers<[2], [2], [1], [1], [0, 0, 0, 1, 1, 1], [0], [0]>, transpose_lhs_hint = false} : vector<512x27x32xf32>, vector<512x27x32xf32>, vector<512x27x27xf32> -> vector<512x27x27xf32>
    %reshape3A_43 = vector.shape_cast %dot_general3A_42 : vector<512x27x27xf32> to vector<512x729xf32>
    %get3A_44 = arith.constant 0 : index
    %get3A_45 = arith.constant 0 : index
    %get3A_46 = vector.load %arg9[%get3A_44, %get3A_45] : memref<761x512xf32, #tpu.memory_space<vmem>>, vector<32x512xf32>
    %dot_general3A_47 = arith.constant dense<0.000000e+00> : vector<512x512xf32>
    %dot_general3A_48 = tpu.matmul %max3A_37, %get3A_46, %dot_general3A_47 {dimension_numbers = #tpu.dot_dimension_numbers<[1], [0], [0], [1], [0, 0, 1, 1], [], []>, transpose_lhs_hint = false} : vector<512x32xf32>, vector<32x512xf32>, vector<512x512xf32> -> vector<512x512xf32>
    %get3A_49 = arith.constant 32 : index
    %get3A_50 = arith.constant 0 : index
    %get3A_51 = vector.load %arg9[%get3A_49, %get3A_50] : memref<761x512xf32, #tpu.memory_space<vmem>>, vector<729x512xf32>
    %dot_general3A_52 = arith.constant dense<0.000000e+00> : vector<512x512xf32>
    %dot_general3A_53 = tpu.matmul %reshape3A_43, %get3A_51, %dot_general3A_52 {dimension_numbers = #tpu.dot_dimension_numbers<[1], [0], [0], [1], [0, 0, 1, 1], [], []>, transpose_lhs_hint = false} : vector<512x729xf32>, vector<729x512xf32>, vector<512x512xf32> -> vector<512x512xf32>
    %add3A_54 = arith.addf %dot_general3A_48, %dot_general3A_53 : vector<512x512xf32>
    %get3A_55 = arith.constant 0 : index
    %get3A_56 = arith.constant 0 : index
    %get3A_57 = vector.load %arg10[%get3A_55, %get3A_56] : memref<1x512xf32, #tpu.memory_space<vmem>>, vector<1x512xf32>
    %add3A_58 = vector.broadcast %get3A_57 : vector<1x512xf32> to vector<512x512xf32>
    %add3A_59 = arith.addf %add3A_54, %add3A_58 : vector<512x512xf32>
    %max3A_60 = arith.constant 0.000000e+00 : f32
    %max3A_61 = vector.broadcast %max3A_60 : f32 to vector<512x512xf32>
    %max3A_62 = arith.maximumf %add3A_59, %max3A_61 : vector<512x512xf32>
    %get3A_63 = arith.constant 0 : index
    %get3A_64 = arith.constant 0 : index
    %get3A_65 = vector.load %arg11[%get3A_63, %get3A_64] : memref<512x256xf32, #tpu.memory_space<vmem>>, vector<512x256xf32>
    %dot_general3A_66 = arith.constant dense<0.000000e+00> : vector<512x256xf32>
    %dot_general3A_67 = tpu.matmul %max3A_62, %get3A_65, %dot_general3A_66 {dimension_numbers = #tpu.dot_dimension_numbers<[1], [0], [0], [1], [0, 0, 1, 1], [], []>, transpose_lhs_hint = false} : vector<512x512xf32>, vector<512x256xf32>, vector<512x256xf32> -> vector<512x256xf32>
    %get3A_68 = arith.constant 0 : index
    %get3A_69 = arith.constant 0 : index
    %get3A_70 = vector.load %arg12[%get3A_68, %get3A_69] : memref<1x256xf32, #tpu.memory_space<vmem>>, vector<1x256xf32>
    %add3A_71 = vector.broadcast %get3A_70 : vector<1x256xf32> to vector<512x256xf32>
    %add3A_72 = arith.addf %dot_general3A_67, %add3A_71 : vector<512x256xf32>
    %max3A_73 = arith.constant 0.000000e+00 : f32
    %max3A_74 = vector.broadcast %max3A_73 : f32 to vector<512x256xf32>
    %max3A_75 = arith.maximumf %add3A_72, %max3A_74 : vector<512x256xf32>
    %get3A_76 = arith.constant 0 : index
    %get3A_77 = arith.constant 0 : index
    %get3A_78 = vector.load %arg13[%get3A_76, %get3A_77] : memref<256x1xf32, #tpu.memory_space<vmem>>, vector<256x1xf32>
    %dot_general3A_79 = arith.constant dense<0.000000e+00> : vector<512x1xf32>
    %dot_general3A_80 = tpu.matmul %max3A_75, %get3A_78, %dot_general3A_79 {dimension_numbers = #tpu.dot_dimension_numbers<[1], [0], [0], [1], [0, 0, 1, 1], [], []>, transpose_lhs_hint = false} : vector<512x256xf32>, vector<256x1xf32>, vector<512x1xf32> -> vector<512x1xf32>
    %get3A_81 = arith.constant 0 : index
    %get3A_82 = arith.constant 0 : index
    %get3A_83 = vector.load %arg14[%get3A_81, %get3A_82] : memref<1x1xf32, #tpu.memory_space<vmem>>, vector<1x1xf32>
    %add3A_84 = vector.broadcast %get3A_83 : vector<1x1xf32> to vector<512x1xf32>
    %add3A_85 = arith.addf %dot_general3A_80, %add3A_84 : vector<512x1xf32>
    %swap3A = arith.constant 0 : index
    %swap3A_86 = arith.constant 0 : index
    %swap3A_87 = vector.load %arg15[%swap3A, %swap3A_86] : memref<512x1xf32, #tpu.memory_space<vmem>>, vector<512x1xf32>
    tpu.vector_store %arg15[%swap3A, %swap3A_86], %add3A_85 {strides = array<i32>} : memref<512x1xf32, #tpu.memory_space<vmem>>, vector<512x1xf32>,
    return
  }
  func.func @transform_0(%arg0: i32) -> (i32, i32) {
    %c0_i32 = arith.constant 0 : i32
    %c0_i32_0 = arith.constant 0 : i32
    return %arg0, %c0_i32 : i32, i32
  }
  func.func @transform_1(%arg0: i32) -> (i32, i32) {
    %c0_i32 = arith.constant 0 : i32
    %c0_i32_0 = arith.constant 0 : i32
    return %c0_i32, %arg0 : i32, i32
  }
  func.func @transform_2(%arg0: i32) -> (i32, i32) {
    %c0_i32 = arith.constant 0 : i32
    %c0_i32_0 = arith.constant 0 : i32
    %c0_i32_1 = arith.constant 0 : i32
    return %c0_i32, %c0_i32_0 : i32, i32
  }
  func.func @transform_3(%arg0: i32) -> (i32, i32) {
    %c0_i32 = arith.constant 0 : i32
    %c0_i32_0 = arith.constant 0 : i32
    %c0_i32_1 = arith.constant 0 : i32
    return %c0_i32, %c0_i32_0 : i32, i32
  }
  func.func @transform_4(%arg0: i32) -> (i32, i32) {
    %c0_i32 = arith.constant 0 : i32
    %c0_i32_0 = arith.constant 0 : i32
    %c0_i32_1 = arith.constant 0 : i32
    return %c0_i32, %c0_i32_0 : i32, i32
  }
  func.func @transform_5(%arg0: i32) -> (i32, i32) {
    %c0_i32 = arith.constant 0 : i32
    %c0_i32_0 = arith.constant 0 : i32
    %c0_i32_1 = arith.constant 0 : i32
    return %c0_i32, %c0_i32_0 : i32, i32
  }
  func.func @transform_6(%arg0: i32) -> (i32, i32) {
    %c0_i32 = arith.constant 0 : i32
    %c0_i32_0 = arith.constant 0 : i32
    %c0_i32_1 = arith.constant 0 : i32
    return %c0_i32, %c0_i32_0 : i32, i32
  }
  func.func @transform_7(%arg0: i32) -> (i32, i32) {
    %c0_i32 = arith.constant 0 : i32
    %c0_i32_0 = arith.constant 0 : i32
    %c0_i32_1 = arith.constant 0 : i32
    return %c0_i32, %c0_i32_0 : i32, i32
  }
  func.func @transform_8(%arg0: i32) -> (i32, i32) {
    %c0_i32 = arith.constant 0 : i32
    %c0_i32_0 = arith.constant 0 : i32
    %c0_i32_1 = arith.constant 0 : i32
    return %c0_i32, %c0_i32_0 : i32, i32
  }
  func.func @transform_9(%arg0: i32) -> (i32, i32) {
    %c0_i32 = arith.constant 0 : i32
    %c0_i32_0 = arith.constant 0 : i32
    %c0_i32_1 = arith.constant 0 : i32
    return %c0_i32, %c0_i32_0 : i32, i32
  }
  func.func @transform_10(%arg0: i32) -> (i32, i32) {
    %c0_i32 = arith.constant 0 : i32
    %c0_i32_0 = arith.constant 0 : i32
    %c0_i32_1 = arith.constant 0 : i32
    return %c0_i32, %c0_i32_0 : i32, i32
  }
  func.func @transform_11(%arg0: i32) -> (i32, i32) {
    %c0_i32 = arith.constant 0 : i32
    %c0_i32_0 = arith.constant 0 : i32
    %c0_i32_1 = arith.constant 0 : i32
    return %c0_i32, %c0_i32_0 : i32, i32
  }
  func.func @transform_12(%arg0: i32) -> (i32, i32) {
    %c0_i32 = arith.constant 0 : i32
    %c0_i32_0 = arith.constant 0 : i32
    %c0_i32_1 = arith.constant 0 : i32
    return %c0_i32, %c0_i32_0 : i32, i32
  }
  func.func @transform_13(%arg0: i32) -> (i32, i32) {
    %c0_i32 = arith.constant 0 : i32
    %c0_i32_0 = arith.constant 0 : i32
    %c0_i32_1 = arith.constant 0 : i32
    return %c0_i32, %c0_i32_0 : i32, i32
  }
  func.func @transform_14(%arg0: i32) -> (i32, i32) {
    %c0_i32 = arith.constant 0 : i32
    %c0_i32_0 = arith.constant 0 : i32
    return %arg0, %c0_i32 : i32, i32
  }
}

</mosaic_0001>

<sc_bundles>
// kernel: kernel.4.cloned.1.call-start
scs
__scs_entry_jumppad:
0x0: {  	(pc) =	sbr.rel $0x88, $3  }
0x1: {  	(tag) =	ssettag $0x0;
	lr =	simm.s32 $0x1  }
0x2: {  	[smem:$0x3F92] =	sst lr;
	_ =	strace $0xD0000000  }
0x3: {  	_ = 	snop  }
0x4: {  	_ = 	snop  }
0x5: {  	_ = 	snop  }
0x6: {  	_ = 	snop  }
0x7: {  	_ = 	snop  }
__scs_overlays_trampoline_lowered:
0x8: {  	[smem:$0x3FA1] =	sst s0  }
0x9: {  	[smem:$0x3FA2] =	sst s1  }
0xa: {  	[smem:$0x3FA3] =	sst s2  }
0xb: {  	[smem:$0x3FA4] =	sst s3  }
0xc: {  	[smem:$0x3FA5] =	sst s4  }
0xd: {  	[smem:$0x3FA6] =	sst s5  }
0xe: {  	[smem:$0x3FA7] =	sst s6  }
0xf: {  	[smem:$0x3FA8] =	sst s7  }
0x10: {  	[smem:$0x3FA9] =	sst s8  }
0x11: {  	[smem:$0x3FAA] =	sst s9;
	s0 =	simm.s32 @!p0 $0x0  }
0x12: {  	s1 =	sld [smem:$0x3F90];
	s0 =	simm.s32 @p0 $0x1  }
0x13: {  	[smem:$0x3FAB] =	sst s0;
	s0 =	simm.s32 @!p1 $0x0  }
0x14: {  	s2 =	sld [smem:$0x3F8F];
	s0 =	simm.s32 @p1 $0x1  }
0x15: {  	[smem:$0x3FAC] =	sst s0;
	s0 =	simm.s32 @!p2 $0x0  }
0x16: {  	s3 =	sld [smem:$0x3FDB];
	s0 =	simm.s32 @p2 $0x1  }
0x17: {  	s4 =	simm.s32 $0x1BF5;
	[smem:$0x3FAE] =	sst s0  }
0x18: {  	s0 =	sld [smem:$0x3F91];
	_ =	swait.ge [sflag:s4], $0x0  }
0x19: {  	s7 =	sld [smem:$0x3F92]  }
0x1a: {  	s8 =	sadd.s32 $0xFFFFE003, lr  }
0x1b: {  	s9 =	sadd.s32 $0xFFFFFEF7, lr;
	s5 =	simm.s32 $0xFFFFFFFF;
	p2 =	slt.u32 s8, $0xFFFFF086  }
0x1c: {  	p1 =	slt.u32 s9, $0xF7A;
	s5 =	simm.s32 @!p2 $0x0  }
0x1d: {  	s5 =	simm.s32 @p1 $0x1;
	p0 =	seq.s32 s7, s2  }
0x1e: {  	s7 =	smul.u32 @!p0 $0xF7A, s2;
	p2 =	seq.s32 @!p0 s5, $0x0  }
0x1f: {  	s9 =	smul.u32 $0xF7A, s1;
	s8 =	simm.s32 @!p0 $0x1BF5;
	p2 =	por !p2, p0  }
0x20: {  	[sflag:s8] =	ssyncset.s32 @!p0 $0xFFFFF086;
	s6 =	sadd.s32 @!p0 s3, s7;
	s7 =	simm.s32 @!p0 $0x108  }
0x21: {  	s3 =	sadd.s32 s3, s9;
	s6 =	sadd.s32 @!p0 $0x88, s6;
	s7 =	simm.s32 @p2 $0x1082  }
0x22: {  	[simem:s7], [sflag:s8] =	dma.local @!p0 [hbm:s6], $0xF7A  }
0x23: {  	s9 =	sor.u32 $0xD0000000, s2;
	s6 =	simm.s32 $0x108;
	_ =	swait.ge @!p0 [sflag:s8], $0x0  }
0x24: {  	s3 =	sadd.s32 $0x88, s3;
	s6 =	simm.s32 @!p1 $0x1082;
	[sflag:s4] =	ssyncset.s32 $0xFFFFF086  }
0x25: {  	[simem:s6], [sflag:s4] =	dma.local [hbm:s3], $0xF7A  }
0x26: {  	[smem:$0x3F92] =	sst s1;
	(tag) =	ssettag s2;
	_ =	strace s9  }
0x27: {  	s1 =	sld [smem:$0x3FA2]  }
0x28: {  	s2 =	sld [smem:$0x3FA3]  }
0x29: {  	s4 =	sld [smem:$0x3FA5]  }
0x2a: {  	p0 =	seq.s32 s5, $0x0;
	s5 =	sld [smem:$0x3FA6]  }
0x2b: {  	s6 =	sld [smem:$0x3FA7]  }
0x2c: {  	s7 =	sld [smem:$0x3FA8]  }
0x2d: {  	s3 =	simm.s32 $0x108;
	s8 =	sld [smem:$0x3FA9]  }
0x2e: {  	s3 =	simm.s32 @!p0 $0x1082;
	s9 =	sld [smem:$0x3FAA]  }
0x2f: {  	lr =	sadd.s32 s0, s3;
	s0 =	sld [smem:$0x3FA1]  }
0x30: {  	s3 =	sld [smem:$0x3FA4]  }
0x31: {  	[smem:$0x3FAD] =	sst s10  }
0x32: {  	s10 =	sld [smem:$0x3FAB];
	_ =	sdelay $0x3  }
0x33: {  	p0 =	seq.s32 s10, $0x1;
	s10 =	sld [smem:$0x3FAD];
	_ =	sdelay $0x3  }
0x34: {  	[smem:$0x3FAD] =	sst s10  }
0x35: {  	s10 =	sld [smem:$0x3FAC];
	_ =	sdelay $0x3  }
0x36: {  	p1 =	seq.s32 s10, $0x1;
	s10 =	sld [smem:$0x3FAD];
	_ =	sdelay $0x3  }
0x37: {  	[smem:$0x3FAD] =	sst s10  }
0x38: {  	s10 =	sld [smem:$0x3FAE]  }
0x39: {  	_ = 	snop;
	(pc) =	sbr.ind lr, $3  }
0x3a: {  	_ = 	snop  }
0x3b: {  	_ = 	snop  }
0x3c: {  	p2 =	seq.s32 s10, $0x1;
	s10 =	sld [smem:$0x3FAD]  }
0x3d: {  	_ =	shalt  }
0x3e: {  	_ =	shalt  }
0x3f: {  	_ =	shalt  }
0x40: {  	_ =	shalt  }
0x41: {  	_ =	shalt  }
0x42: {  	_ =	shalt  }
0x43: {  	_ =	shalt  }
0x44: {  	_ =	shalt  }
0x45: {  	_ =	shalt  }
0x46: {  	_ =	shalt  }
0x47: {  	_ =	shalt  }
0x48: {  	_ =	shalt  }
0x49: {  	_ =	shalt  }
0x4a: {  	_ =	shalt  }
0x4b: {  	_ =	shalt  }
0x4c: {  	_ =	shalt  }
0x4d: {  	_ =	shalt  }
0x4e: {  	_ =	shalt  }
0x4f: {  	_ =	shalt  }
0x50: {  	_ =	shalt  }
0x51: {  	_ =	shalt  }
0x52: {  	_ =	shalt  }
0x53: {  	_ =	shalt  }
0x54: {  	_ =	shalt  }
0x55: {  	_ =	shalt  }
0x56: {  	_ =	shalt  }
0x57: {  	_ =	shalt  }
0x58: {  	_ =	shalt  }
0x59: {  	_ =	shalt  }
0x5a: {  	_ =	shalt  }
0x5b: {  	_ =	shalt  }
0x5c: {  	_ =	shalt  }
0x5d: {  	_ =	shalt  }
0x5e: {  	_ =	shalt  }
0x5f: {  	_ =	shalt  }
0x60: {  	_ =	shalt  }
0x61: {  	_ =	shalt  }
0x62: {  	_ =	shalt  }
0x63: {  	_ =	shalt  }
0x64: {  	_ =	shalt  }
0x65: {  	_ =	shalt  }
0x66: {  	_ =	shalt  }
0x67: {  	_ =	shalt  }
0x68: {  	_ =	shalt  }
0x69: {  	_ =	shalt  }
0x6a: {  	_ =	shalt  }
0x6b: {  	_ =	shalt  }
0x6c: {  	_ =	shalt  }
0x6d: {  	_ =	shalt  }
0x6e: {  	_ =	shalt  }
0x6f: {  	_ =	shalt  }
0x70: {  	_ =	shalt  }
0x71: {  	_ =	shalt  }
0x72: {  	_ =	shalt  }
0x73: {  	_ =	shalt  }
0x74: {  	_ =	shalt  }
0x75: {  	_ =	shalt  }
0x76: {  	_ =	shalt  }
0x77: {  	_ =	shalt  }
0x78: {  	_ =	shalt  }
0x79: {  	_ =	shalt  }
0x7a: {  	_ =	shalt  }
0x7b: {  	_ =	shalt  }
0x7c: {  	_ =	shalt  }
0x7d: {  	_ =	shalt  }
0x7e: {  	_ =	shalt  }
0x7f: {  	_ =	shalt  }
0x80: {  	_ =	shalt  }
0x81: {  	_ =	shalt  }
0x82: {  	_ =	shalt  }
0x83: {  	_ =	shalt  }
0x84: {  	_ =	shalt  }
0x85: {  	_ =	shalt  }
0x86: {  	_ =	shalt  }
0x87: {  	_ =	shalt  }
.Lfunc_end0:
.L_simem_size_0:
called_computation_lowered:
.L_overlay_start_0:
0x88: {  	s2 =	sld [smem:$0x3FD9]  }
0x89: {  	s3 =	sld [smem:$0x3FFE];
	_ =	sdelay $0x1  }
0x8a: {  	s1 =	srdreg.scid  }
0x8b: {  	s0 =	sand.u32 $0x1, s1  }
0x8c: {  	s17 =	sshll.u32 s0, $0xA;
	s2 =	sadd.s32 s3, s2  }
0x8d: {  	s2 =	sadd.s32 s2, s17  }
0x8e: {  	[smem:$0x3FB9] =	sst s2  }
0x8f: {  	_ = 	snop  }
0x90: {  	s2 =	sld [smem:$0x3FC8]  }
0x91: {  	s18 =	sld [smem:$0x3FC7];
	(tm) =	ssettm $0x1  }
0x92: {  	s4 =	sld [smem:$0x3FFB];
	_ =	sdelay $0x3  }
0x93: {  	_ =	strace s4  }
0x94: {  	s4 =	sld [smem:$0x3FFC];
	_ =	sdelay $0x3  }
0x95: {  	_ =	strace s4  }
0x96: {  	s4 =	sld [smem:$0x3FFD];
	_ =	sdelay $0x3  }
0x97: {  	_ =	strace s4  }
0x98: {  	_ =	strace $0x8FFFFFFF  }
0x99: {  	s19 =	sld [smem:$0x3FDB];
	_ =	sdelay $0x1  }
0x9a: {  	s5 =	simm.s32 $_scs_section_size  }
0x9b: {  	s6 =	simm.s32 $_size__tile_overlayer_lowered;
	s7 =	simm.s32 $_tile_overlayer_lowered  }
0x9c: {  	s22 =	simm.s32 $0x1BFF;
	s21 =	sshll.u32 s7, $0x1;
	s4 =	sadd.s32 s5, s19  }
0x9d: {  	s8 =	simm.s32 $0x0;
	s20 =	sshll.u32 s6, $0x1;
	s6 =	sadd.s32 s21, s4  }
0x9e: {  	[timem:s8], [sflag:s22] =	dma.local [hbm:s6], s20  }
0x9f: {  	_ =	swait.ge [sflag:s22], s20  }
0xa0: {  	s5 =	ssub.s32 $0x0, s20;
	[sflag:s22] =	ssyncset.done $0x0  }
0xa1: {  	[sflag:s22] =	ssyncadd.s32 s5;
	_ =	sdelay $0x1  }
0xa2: {  	s23 =	simm.s32 $0x1B8B  }
0xa3: {  	_ =	swait.ge [sflag:s23], $0x1  }
0xa4: {  	[sflag:s23] =	ssyncset.done $0x0  }
0xa5: {  	s25 =	simm.s32 $0x1B8E;
	s24 =	sld [smem:$0x3FFE];
	[sflag:s23] =	ssyncadd.s32 $0xFFFFFFFF  }
0xa6: {  	s26 =	simm.s32 $execute0_lowered;
	[smem:$0x3FD2] =	sst s25  }
0xa7: {  	s6 =	sshll.u32 s26, $0x1;
	_ =	strace $0x80000046;
	[dreg:$0x1] =	wrdreg $0xFFFFFFFF  }
0xa8: {  	s28 =	simm.s32 $_size_execute0_lowered;
	s4 =	sadd.s32 s4, s6;
	[dreg:$0x0] =	wrdreg $0x0  }
0xa9: {  	s6 =	sshll.u32 s28, $0x1;
	[dreg:$0x2] =	wrdreg s4  }
0xaa: {  	[dreg:$0x3] =	wrdreg s6  }
0xab: {  	[dreg:$0x4] =	wrdreg $0xC0  }
0xac: {  	_ =	task [dreg:s8], $0x5FFFF  }
0xad: {  	[dreg:$0x1] =	wrdreg $0xFFFFFFFF  }
0xae: {  	[dreg:$0x0] =	wrdreg $0x60  }
0xaf: {  	[dreg:$0x2] =	wrdreg s18  }
0xb0: {  	[dreg:$0x3] =	wrdreg s2  }
0xb1: {  	[dreg:$0x4] =	wrdreg s24  }
0xb2: {  	[dreg:$0x5] =	wrdreg $0x9  }
0xb3: {  	_ =	task.clear_ibuf [dreg:s8], $0x6FFFF;
	_ =	strace $0x90000046  }
0xb4: {  	s29 =	simm.s32 $0x9;
	_ =	strace $0x80000048  }
0xb5: {  	_ =	swait.ge [sflag:s29], $0x1  }
0xb6: {  	[sflag:s29] =	ssyncadd.s32 $0xFFFFFFFF  }
0xb7: {  	_ =	strace $0x90000048  }
0xb8: {  	_ =	sfence  }
0xb9: {  	s30 =	sld [smem:$0x0];
	_ =	sdelay $0x2  }
0xba: {  	s31 =	sshll.u32 s1, $0xD;
	s1 =	sshrl.u32 s1, $0x2  }
0xbb: {  	s3 =	sand.u32 $0x4000, s31;
	s1 =	sadd.s32 s1, s30  }
0xbc: {  	s0 =	sor.u32 s3, s0;
	s1 =	sshll.u32 s1, $0x11  }
0xbd: {  	s0 =	sor.u32 s1, s0  }
0xbe: {  	s0 =	sadd.s32 $0x8F2B, s0  }
0xbf: {  	[sflag:s0] =	ssyncadd.remote.s32 $0x1  }
0xc0: {  	_ =	sfence.sel $0xFFFF  }
0xc1: {  	[dreg:$0x0] =	wrdreg $0xFFFFFFFF;
	(pc) =	sbr.abs _section_cstart, $3  }
0xc2: {  	[dreg:$0x1] =	wrdreg $0xFFFFFFFF  }
0xc3: {  	_ =	task.clear_ibuf [dreg:s8], $0x2FFFF;
	_ =	strace $0x9FFFFFFF  }
0xc4: {  	(tm) =	ssettm $0x7FFFFFFF  }
0xc5: {  	_ =	shalt  }
tec
execute0_lowered:
.L_overlay_start_1:
0x0: {  	(tag) =	ssettag $0x1  }
0x1: {  	s1 =	rddreg [dreg:$0x0]  }
0x2: {  	s3 =	rddreg [dreg:$0x1]  }
0x3: {  	s0 =	srdreg.scid;
	s4 =	rddreg [dreg:$0x2]  }
0x4: {  	s5 =	simm.s32 $0x0;
	s15 =	simm.s32 $0xC300;
	s16 =	simm.s32 $0x18700  }
0x5: {  	s17 =	simm.s32 $0x3;
	s18 =	simm.s32 $0x1;
	s8 =	sand.u32 $0x1, s0  }
0x6: {  	s19 =	simm.s32 $0x2;
	s0 =	stileid.u32;
	s2 =	sshll.u32 s8, $0x4  }
0x7: {  	s20 =	simm.s32 $0x19700;
	s21 =	simm.s32 $0x4;
	s2 =	sor.u32 s0, s2  }
0x8: {  	s22 =	simm.s32 $0x0;
	[smem:$0x7FF] =	sst s5;
	s11 =	sshrl.u32 s2, $0x3  }
0x9: {  	s6 =	sshll.u32 s0, $0x7;
	s9 =	ssub.s32 $0x2, s8;
	s7 =	smul.u32 $0xC3800, s11  }
0xa: {  	s6 =	sand.u32 $0x380, s6;
	s10 =	sshrl.u32 s9, $0x1;
	s2 =	rddreg [dreg:$0x3]  }
0xb: {  	_ =	strace $0x80000047;
	s14 =	ssub.s32 s9, s10;
	s7 =	sor.u32 s6, s7  }
0xc: {  	s11 =	sshll.u32 s11, $0xF;
	s8 =	sadd.s32 $0x61800, s7;
	s12 =	sshrl.u32 s7, $0x3  }
0xd: {  	s13 =	sshrl.u32 s8, $0x3;
	s9 =	sadd.s32 s1, s12;
	s12 =	smax.u32 s14, $0x1  }
0xe: {  	s14 =	simm.s32 $0x400;
	s10 =	sadd.s32 s1, s13;
	s13 =	simm.s32 $0x80  }
.LBB2_1:
0xf: {  	[tilespmem:s5], [sflag:$0x1] =	stream.strided.gather [hbm4b:s9+s13], $0xC300, s14, s13, $0x38;
	[tilespmem:$0x1A700] =	vst v63  }
0x10: {  	_ = 	snop  }
0x11: {  	[tilespmem:s15], [sflag:$0x2] =	stream.strided.gather [hbm4b:s10+s13], $0xC400, s14, s13, $0x38;
	[tilespmem:$0x1A700] =	vst v63  }
0x12: {  	_ = 	snop  }
0x13: {  	[tilespmem:s16], [sflag:$0x3] =	stream.strided.gather [hbm4b:s3+s13], $0x1000, s14, s13, $0x38;
	[tilespmem:$0x1A700] =	vst v63  }
0x14: {  	_ =	swait.ge [sflag:s17], $0x1000  }
0x15: {  	[sflag:s17] =	ssyncset.done $0x0  }
0x16: {  	s23 =	simm.s32 $0x0;
	[sflag:s17] =	ssyncadd.s32 $0xFFFFF000  }
.LBB2_2:
0x17: {  	_ =	swait.ge [sflag:s18], $0xC300  }
0x18: {  	[sflag:s18] =	ssyncset.done $0x0  }
0x19: {  	s25 =	simm.s32 $0x0;
	[sflag:s18] =	ssyncadd.s32 $0xFFFF3D00  }
0x1a: {  	v0 =	vld [tilespmem:s25+$0x18700];
	_ =	sdelay $0x4  }
0x1b: {  	vm0 =	vlt.s32 v0, $0xC300  }
0x1c: {  	s24 =	simm.s32 $0x10;
	v0 =	vnsel vm0, $0x0, v0  }
0x1d: {  	v2 =	vld [tilespmem:s24+$0x18700];
	_ =	sdelay $0x3  }
0x1e: {  	v1 =	vld.idx.msk [tilespmem:v0+s5+$0x0], $0xffff  }
0x1f: {  	vm1 =	vlt.s32 v2, $0xC300  }
0x20: {  	v0 =	vnsel vm1, $0x0, v2  }
0x21: {  	s26 =	simm.s32 $0x20;
	s28 =	simm.s32 $0xC0;
	vm0 =	vmmov vm0  }
.LBB2_3:
0x22: {  	p0 =	sne.s32 s28, $0x3FC0;
	v2 =	vld [tilespmem:s26+$0x18700]  }
0x23: {  	v1 =	vnsel vm0, $0x0, v1;
	vm0 =	vmmov vm1  }
0x24: {  	[tilespmem:s25+$0x19700] =	vst v1;
	s25 =	smov.u32 s24;
	s24 =	smov.u32 s26  }
.Ltmp0:
0x25: {  	v1 =	vld.idx.msk [tilespmem:v0+s5+$0x0], $0xffff;
	(pc) =	sbr.rel @p0 .LBB2_3-.Ltmp0, $4  }
0x26: {  	_ = 	snop  }
0x27: {  	vm1 =	vlt.s32 v2, $0xC300  }
0x28: {  	v0 =	vnsel vm1, $0x0, v2  }
0x29: {  	s26 =	sshra.s32 s28, $0x2;
	s28 =	sadd.s32 $0x40, s28  }
0x2a: {  	v2 =	vld [tilespmem:s26+$0x18700];
	_ =	sdelay $0x1  }
0x2b: {  	v1 =	vnsel vm0, $0x0, v1  }
0x2c: {  	[tilespmem:s25+$0x19700] =	vst v1  }
0x2d: {  	v0 =	vld.idx.msk [tilespmem:v0+s5+$0x0], $0xffff  }
0x2e: {  	vm12 =	vlt.s32 v2, $0xC300  }
0x2f: {  	v1 =	vnsel vm12, $0x0, v2;
	_ =	sdelay $0x1  }
0x30: {  	vm1 =	vmmov vm1  }
0x31: {  	v0 =	vnsel vm1, $0x0, v0  }
0x32: {  	[tilespmem:s24+$0x19700] =	vst v0  }
0x33: {  	v0 =	vld.idx.msk [tilespmem:v1+s5+$0x0], $0xffff;
	_ =	sdelay $0x3  }
0x34: {  	p0 =	seq.s32 s23, $0x19;
	vm0 =	vmmov vm12;
	s24 =	sadd.s32 $0x1, s23  }
0x35: {  	s25 =	smul.u32 @!p0 $0x30E000, s24;
	v0 =	vnsel vm0, $0x0, v0  }
0x36: {  	[tilespmem:s26+$0x19700] =	vst v0  }
0x37: {  	s28 =	simm.s32 @!p0 $0x80;
	s26 =	sadd.s32 @!p0 s7, s25;
	_ =	swait.ge [sflag:s19], $0xC400  }
0x38: {  	s29 =	simm.s32 @!p0 $0x400;
	s26 =	sshrl.u32 @!p0 s26, $0x3;
	[sflag:s19] =	ssyncset.done $0x0  }
0x39: {  	s30 =	simm.s32 @!p0 $0x0;
	s26 =	sadd.s32 @!p0 s1, s26;
	[sflag:s19] =	ssyncadd.s32 $0xFFFF3C00  }
0x3a: {  	[tilespmem:s30], [sflag:$0x1] =	stream.strided.gather @!p0 [hbm4b:s26+s28], $0xC300, s29, s28, $0x38;
	[tilespmem:$0x1A700] =	vst v63  }
0x3b: {  	s28 =	simm.s32 $0x0  }
0x3c: {  	v1 =	vld [tilespmem:s28+$0x18700];
	_ =	sdelay $0x4  }
0x3d: {  	vm13 =	vgt.s32 v1, $0xC300  }
0x3e: {  	v0 =	vnsel vm13, $0xC300, v1  }
0x3f: {  	v2 =	vadd.s32 $0xFFFF3D00, v0  }
0x40: {  	s26 =	simm.s32 $0x10  }
0x41: {  	v0 =	vld [tilespmem:s26+$0x18700];
	_ =	sdelay $0x2  }
0x42: {  	v2 =	vld.idx.msk [tilespmem:v2+s15+$0x0], $0xffff  }
0x43: {  	v3 =	vld [tilespmem:s28+$0x19700]  }
0x44: {  	vm14 =	vgt.s32 v0, $0xC300  }
0x45: {  	vm15 =	vgt.s32 v1, $0xC2FF;
	v1 =	vnsel vm14, $0xC300, v0  }
0x46: {  	v1 =	vadd.s32 $0xFFFF3D00, v1  }
0x47: {  	v2 =	vnsel vm15, $0x0, v2  }
0x48: {  	s29 =	simm.s32 $0x20;
	s30 =	simm.s32 $0xC0;
	v2 =	vadd.f32 v2, v3  }
.LBB2_5:
0x49: {  	p1 =	sne.s32 s30, $0x3FC0;
	v3 =	vld [tilespmem:s29+$0x18700]  }
0x4a: {  	[tilespmem:s28+$0x19700] =	vst v2;
	s28 =	smov.u32 s26;
	s26 =	smov.u32 s29  }
0x4b: {  	v2 =	vld.idx.msk [tilespmem:v1+s15+$0x0], $0xffff;
	_ =	sdelay $0x1  }
0x4c: {  	v4 =	vld [tilespmem:s28+$0x19700]  }
.Ltmp1:
0x4d: {  	vm0 =	vgt.s32 v3, $0xC300;
	(pc) =	sbr.rel @p1 .LBB2_5-.Ltmp1, $4  }
0x4e: {  	v1 =	vnsel vm0, $0xC300, v3  }
0x4f: {  	vm0 =	vgt.s32 v0, $0xC2FF;
	v0 =	vmov v3;
	v1 =	vadd.s32 $0xFFFF3D00, v1  }
0x50: {  	v2 =	vnsel vm0, $0x0, v2  }
0x51: {  	s29 =	sshra.s32 s30, $0x2;
	s30 =	sadd.s32 $0x40, s30;
	v2 =	vadd.f32 v2, v4  }
0x52: {  	_ = 	snop  }
0x53: {  	v3 =	vld [tilespmem:s29+$0x18700];
	_ =	sdelay $0x1  }
0x54: {  	[tilespmem:s28+$0x19700] =	vst v2  }
0x55: {  	v1 =	vld.idx.msk [tilespmem:v1+s15+$0x0], $0xffff  }
0x56: {  	v2 =	vld [tilespmem:s26+$0x19700]  }
0x57: {  	vm0 =	vgt.s32 v3, $0xC300  }
0x58: {  	v4 =	vnsel vm0, $0xC300, v3  }
0x59: {  	vm14 =	vgt.s32 v0, $0xC2FF;
	v4 =	vadd.s32 $0xFFFF3D00, v4  }
0x5a: {  	v0 =	vnsel vm14, $0x0, v1  }
0x5b: {  	v0 =	vadd.f32 v0, v2;
	_ =	sdelay $0x1  }
0x5c: {  	[tilespmem:s26+$0x19700] =	vst v0  }
0x5d: {  	v0 =	vld.idx.msk [tilespmem:v4+s15+$0x0], $0xffff  }
0x5e: {  	v63 =	vld [tilespmem:s29+$0x19700];
	_ =	sdelay $0x2  }
0x5f: {  	s23 =	sshll.u32 s23, $0x11;
	vm15 =	vgt.s32 v3, $0xC2FF  }
0x60: {  	s23 =	sor.u32 s23, s11;
	v0 =	vnsel vm15, $0x0, v0  }
0x61: {  	s23 =	sor.u32 s6, s23;
	v0 =	vadd.f32 v0, v63  }
0x62: {  	s23 =	sshrl.u32 s23, $0x3  }
0x63: {  	s23 =	sadd.s32 s4, s23;
	[tilespmem:s29+$0x19700] =	vst v0  }
0x64: {  	[hbm4b:s23+s13] =	stream.strided.scatter [tilespmem:s20], [sflag:$0x4], $0x1000, s14, s13, $0x38;
	[tilespmem:$0x1A700] =	vst v63  }
0x65: {  	s28 =	simm.s32 @!p0 $0xC300;
	s23 =	sadd.s32 @!p0 s25, s8;
	_ =	swait.ge [sflag:s21], $0x1000  }
0x66: {  	s26 =	simm.s32 @!p0 $0x400;
	s23 =	sshrl.u32 @!p0 s23, $0x3;
	[sflag:s21] =	ssyncset.done $0x0  }
0x67: {  	s25 =	simm.s32 @!p0 $0x80;
	s23 =	sadd.s32 @!p0 s1, s23;
	[sflag:s21] =	ssyncadd.s32 $0xFFFFF000  }
0x68: {  	[tilespmem:s28], [sflag:$0x2] =	stream.strided.gather @!p0 [hbm4b:s23+s25], $0xC400, s26, s25, $0x38;
	[tilespmem:$0x1A700] =	vst v63  }
0x69: {  	s23 =	sshll.u32 @!p0 s24, $0x4  }
0x6a: {  	s28 =	sshll.u32 @!p0 s24, $0x9;
	s23 =	sand.u32 @!p0 $0x70, s23  }
0x6b: {  	p1 =	sne.s32 @!p0 s24, $0x1A;
	s28 =	sand.u32 @!p0 $0x7000, s28;
	s23 =	sadd.s32 @!p0 s3, s23  }
0x6c: {  	p1 =	por p0, !p1;
	s23 =	sadd.s32 @!p0 s28, s23;
	s28 =	simm.s32 @!p0 $0x18700  }
0x6d: {  	[tilespmem:s28], [sflag:$0x3] =	stream.strided.gather @!p0 [hbm4b:s23+s25], $0x1000, s26, s25, $0x38;
	[tilespmem:$0x1A700] =	vst v63  }
.Ltmp2:
0x6e: {  	_ = 	snop;
	(pc) =	sbr.rel @!p1 .LBB2_2-.Ltmp2, $4  }
0x6f: {  	s23 =	simm.s32 @!p0 $0x3  }
0x70: {  	_ =	swait.ge @!p0 [sflag:s23], $0x1000  }
0x71: {  	[sflag:s23] =	ssyncset.done @!p0 $0x0  }
0x72: {  	[sflag:s23] =	ssyncadd.s32 @!p0 $0xFFFFF000;
	s23 =	smov.u32 s24  }
0x73: {  	s22 =	sadd.s32 $0x1, s22  }
0x74: {  	p0 =	sne.s32 s22, s12  }
.Ltmp3:
0x75: {  	_ = 	snop;
	(pc) =	sbr.rel @p0 .LBB2_1-.Ltmp3, $1  }
0x76: {  	_ =	sdelay $0x3  }
0x77: {  	_ =	sfence.sel $0x180000  }
0x78: {  	[bflag:$0x0] =	sbarrier.arrive $0xFFFF  }
0x79: {  	p0 =	sne.s32 s0, $0x0;
	_ =	strace $0x90000047  }
0x7a: {  	s0 =	sadd.s32 @!p0 $0x100000, s2;
	[bflag:$0x2] =	sbarrier.arrive $0xFFFF  }
0x7b: {  	[sflag:s0] =	ssyncadd.tile.s32 @!p0 $0x1;
	_ =	shalt  }
.Lfunc_end2:
_tile_overlayer_lowered:
.L_overlay_start_2:
0x7c: {  	(tag) =	ssettag $0x2  }
0x7d: {  	s0 =	rddreg [dreg:$0x0];
	s2 =	stileid.u32  }
0x7e: {  	s1 =	rddreg [dreg:$0x1];
	p0 =	sne.s32 s2, $0x0  }
0x7f: {  	s3 =	rddreg [dreg:$0x2];
	[bflag:$0x3] =	sbarrier.arrive $0xFFFF;
	s2 =	simm.s32 @!p0 $0x1C03  }
0x80: {  	[timem:s3], [sflag:s2] =	dma.local @!p0 [hbm:s0], s1  }
0x81: {  	s0 =	simm.s32 @!p0 $0x3  }
0x82: {  	_ =	swait.ge @!p0 [sflag:s0], s1  }
0x83: {  	s1 =	ssub.s32 @!p0 $0x0, s1;
	[sflag:s0] =	ssyncset.done @!p0 $0x0  }
0x84: {  	[sflag:s0] =	ssyncadd.s32 @!p0 s1  }
0x85: {  	[bflag:$0x3] =	sbarrier.arrive $0xFFFF  }
0x86: {  	_ =	shalt  }

</sc_bundles>
